<compile_context>
chip_gen: v7x
topology: tpu7x:2x2x1
jax: 0.10.2.dev20260603
libtpu: 0.0.44.dev20260713+nightly
codegen_flags: <defaults>
</compile_context>

<pallas_src>
import jax
import jax.numpy as jnp
from jax import lax
from jax.experimental import pallas as pl
from jax.experimental.pallas import tpu as pltpu
from jax.experimental.pallas import tpu_sc as plsc

_N = 10000
_D = 128
_E = 320000
_NC = 2
_NS = 16
_NW = _NC * _NS
_EPW = _E // _NW
_C = 80
_NCHUNK = _EPW // _C
_NP = 10240
_RPT = _NP // _NS


def _sc_body(x_hbm, src_hbm, dst_hbm, w_hbm, z_hbm, out0, out1,
             src_v, dst_v, w_v, rows_v, acc, sem):
    c = lax.axis_index("c")
    s = lax.axis_index("s")
    wid = s * _NC + c
    row0 = s * _RPT

    pltpu.sync_copy(z_hbm.at[pl.ds(row0, _RPT)], acc.at[pl.ds(row0, _RPT)])
    plsc.subcore_barrier()

    def chunk(g, carry):
        base = wid * _EPW + g * _C
        pltpu.sync_copy(src_hbm.at[pl.ds(base, _C)], src_v)
        pltpu.sync_copy(dst_hbm.at[pl.ds(base, _C)], dst_v)
        pltpu.sync_copy(w_hbm.at[pl.ds(base, _C)], w_v)
        pltpu.async_copy(x_hbm.at[src_v], rows_v, sem).wait()

        def row(i, cc):
            wb = plsc.load_gather(w_v, [jnp.zeros((16,), jnp.int32) + i])
            for j in range(_D // 16):
                sl = pl.ds(j * 16, 16)
                rows_v[i, sl] = rows_v[i, sl] * wb
            return cc

        lax.fori_loop(0, _C, row, 0)
        pltpu.sync_copy(rows_v, acc.at[dst_v], add=True)
        return carry

    lax.fori_loop(0, _NCHUNK, chunk, 0)
    plsc.subcore_barrier()

    @pl.when(c == 0)
    def _():
        pltpu.sync_copy(acc.at[pl.ds(row0, _RPT)], out0.at[pl.ds(row0, _RPT)])

    @pl.when(c == 1)
    def _():
        pltpu.sync_copy(acc.at[pl.ds(row0, _RPT)], out1.at[pl.ds(row0, _RPT)])


def _combine_body(a_ref, b_ref, o_ref):
    t = a_ref[...] + b_ref[...]
    o_ref[...] = 1.0 / (1.0 + jnp.exp(-t))


@jax.jit
def kernel(x, edge_index, edge_weight):
    src = edge_index[0]
    dst = edge_index[1]
    zeros = jnp.zeros((_NP, _D), jnp.float32)
    sc = pl.kernel(
        _sc_body,
        mesh=plsc.VectorSubcoreMesh(core_axis_name="c", subcore_axis_name="s"),
        out_type=[jax.ShapeDtypeStruct((_NP, _D), jnp.float32)] * 2,
        scratch_types=[
            pltpu.VMEM((_C,), jnp.int32),
            pltpu.VMEM((_C,), jnp.int32),
            pltpu.VMEM((_C,), jnp.float32),
            pltpu.VMEM((_C, _D), jnp.float32),
            pltpu.VMEM_SHARED((_NP, _D), jnp.float32),
            pltpu.SemaphoreType.DMA,
        ],
        compiler_params=pltpu.CompilerParams(needs_layout_passes=False),
    )
    o0, o1 = sc(x, src, dst, edge_weight, zeros)

    blk = 1000
    return pl.pallas_call(
        _combine_body,
        out_shape=jax.ShapeDtypeStruct((_N, _D), jnp.float32),
        grid=(_N // blk,),
        in_specs=[pl.BlockSpec((blk, _D), lambda i: (i, 0))] * 2,
        out_specs=pl.BlockSpec((blk, _D), lambda i: (i, 0)),
    )(o0, o1)

# --- scband reference (transcript-rebuilt; emitter-appended) ---
"""Pipeline reference for scband-neatnetwork-3152505996109 (READ-ONLY COPY).

The authoritative reference and input builder live on the scoring server;
editing this copy changes nothing except your own understanding.
"""

import jax, jax.numpy as jnp
import numpy as np

N = 10000   # max node id in the NEAT genome (input + output + hidden nodes)
E = 320000  # enabled connection genes
D = 128     # vectorized batch of activations per node (input_size features propagated together)


def setup_inputs(seed: int = 0) -> dict:
    key = jax.random.key(seed)
    k1, k2, k3 = jax.random.split(key, 3)
    # node activations (batched over D independent evaluation lanes)
    x = jax.random.normal(k1, (N, D), dtype=jnp.float32)
    # connection genes: row 0 = from_node, row 1 = to_node
    edge_index = jax.random.randint(k2, (2, E), 0, N, dtype=jnp.int32)
    # gene weights, uniform(-1, 1) as in NEAT weight init / clipping
    edge_weight = jax.random.uniform(k3, (E,), minval=-1.0, maxval=1.0, dtype=jnp.float32)
    return {"x": x, "edge_index": edge_index, "edge_weight": edge_weight}


def reference(x, edge_index, edge_weight):
    # NEATNetwork stores weight_matrix[from_node, to_node] = gene.weight for enabled genes,
    # and propagates activations through the graph. One propagation step over the
    # (sparse) weight matrix is equivalent to a gather / weighted-message / scatter-add:
    #   pre_act[to] = sum_over_enabled_genes(from->to) weight * act[from]
    #   act[to]     = sigmoid(pre_act[to])
    src = edge_index[0]
    dst = edge_index[1]
    msgs = jnp.take(x, src, axis=0) * edge_weight[:, None]   # gather + weight  [E, D]
    agg = jax.ops.segment_sum(msgs, dst, num_segments=N)      # scatter-add     [N, D]
    return jax.nn.sigmoid(agg)

if __name__ == "__main__":
    import jax
    _d = setup_inputs()
    print(jax.jit(kernel)(*tuple(_d.values())))

</pallas_src>

<mosaic_0001>
#map = affine_map<(d0, d1) -> (0, 0)>
#map1 = affine_map<(d0, d1) -> (0)>
module attributes {stable_mosaic.version = 14 : i64} {
  func.func @_sc_body(%arg0: i32, %arg1: i32, %arg2: memref<10000x128xf32, #tpu.memory_space<hbm>>, %arg3: memref<320000xi32, #tpu.memory_space<hbm>>, %arg4: memref<320000xi32, #tpu.memory_space<hbm>>, %arg5: memref<320000xf32, #tpu.memory_space<hbm>>, %arg6: memref<10240x128xf32, #tpu.memory_space<hbm>>, %arg7: memref<10240x128xf32, #tpu.memory_space<hbm>>, %arg8: memref<10240x128xf32, #tpu.memory_space<hbm>>, %arg9: memref<80xi32, #tpu.memory_space<vmem>>, %arg10: memref<80xi32, #tpu.memory_space<vmem>>, %arg11: memref<80xf32, #tpu.memory_space<vmem>>, %arg12: memref<80x128xf32, #tpu.memory_space<vmem>>, %arg13: memref<10240x128xf32, #tpu.memory_space<vmem_shared>>, %arg14: memref<!tpu.dma_semaphore, #tpu.memory_space<semaphore_mem>>) attributes {dimension_semantics = [#tpu.dimension_semantics<core_parallel>, #tpu.dimension_semantics<subcore_parallel>], iteration_bounds = array<i64: 2, 16>, scalar_prefetch = 0 : i64, scratch_operands = 6 : i64, tpu.core_type = #tpu.core_type<sc_vector_subcore>, window_params = [{transform_indices = #map}, {transform_indices = #map1}, {transform_indices = #map1}, {transform_indices = #map1}, {transform_indices = #map}, {transform_indices = #map}, {transform_indices = #map}]} {
    %mul3A = arith.constant 2 : i32
    %mul3A_0 = arith.muli %arg1, %mul3A : i32
    %add3A = arith.addi %mul3A_0, %arg0 : i32
    %mul3A_1 = arith.constant 640 : i32
    %mul3A_2 = arith.muli %arg1, %mul3A_1 : i32
    "tpu.region"() ({
      %run_scoped3A = tpu.sem_alloc : memref<!tpu.dma_semaphore, #tpu.memory_space<semaphore_mem>>
      %dma_start3A = arith.constant 0 : i32
      %dma_start3A_16 = tpu.memref_slice %arg13[%mul3A_2, %dma_start3A] : memref<10240x128xf32, #tpu.memory_space<vmem_shared>> -> memref<640x128xf32, #tpu.memory_space<vmem_shared>>
      %dma_start3A_17 = arith.constant 0 : i32
      %dma_start3A_18 = tpu.memref_slice %arg6[%mul3A_2, %dma_start3A_17] : memref<10240x128xf32, #tpu.memory_space<hbm>> -> memref<640x128xf32, #tpu.memory_space<hbm>>
      tpu.enqueue_dma source(%dma_start3A_18 : memref<640x128xf32, #tpu.memory_space<hbm>>) target(%dma_start3A_16 : memref<640x128xf32, #tpu.memory_space<vmem_shared>>) target_semaphore(%run_scoped3A : memref<!tpu.dma_semaphore, #tpu.memory_space<semaphore_mem>>)
      %dma_wait3A = arith.constant 0 : i32
      %dma_wait3A_19 = tpu.memref_slice %arg13[%mul3A_2, %dma_wait3A] : memref<10240x128xf32, #tpu.memory_space<vmem_shared>> -> memref<640x128xf32, #tpu.memory_space<vmem_shared>>
      %dma_wait3A_20 = arith.constant 0 : i32
      %dma_wait3A_21 = tpu.memref_slice %arg6[%mul3A_2, %dma_wait3A_20] : memref<10240x128xf32, #tpu.memory_space<hbm>> -> memref<640x128xf32, #tpu.memory_space<hbm>>
      tpu.wait_dma2 semaphore(%run_scoped3A : memref<!tpu.dma_semaphore, #tpu.memory_space<semaphore_mem>>) src(%dma_wait3A_21 : memref<640x128xf32, #tpu.memory_space<hbm>>) dst(%dma_wait3A_19 : memref<640x128xf32, #tpu.memory_space<vmem_shared>>)
      tpu.yield
    }) : () -> ()
    %barrier3A = arith.constant 0 : index
    tpu.barrier barrier_id(%barrier3A)
    %scan3A = arith.constant 0 : i32
    %scan3A_3 = arith.constant 0 : i32
    %scan3A_4 = arith.constant 125 : i32
    %scan3A_5 = arith.addi %scan3A_3, %scan3A_4 : i32
    %scan3A_6 = arith.constant 1 : i32
    scf.for %scan3A_16 = %scan3A_3 to %scan3A_5 step %scan3A_6  : i32 {
      %mul3A_17 = arith.constant 10000 : i32
      %mul3A_18 = arith.muli %add3A, %mul3A_17 : i32
      %mul3A_19 = arith.constant 80 : i32
      %mul3A_20 = arith.muli %scan3A_16, %mul3A_19 : i32
      %add3A_21 = arith.addi %mul3A_18, %mul3A_20 : i32
      "tpu.region"() ({
        %run_scoped3A = tpu.sem_alloc : memref<!tpu.dma_semaphore, #tpu.memory_space<semaphore_mem>>
        %dma_start3A_32 = tpu.memref_slice %arg3[%add3A_21] : memref<320000xi32, #tpu.memory_space<hbm>> -> memref<80xi32, #tpu.memory_space<hbm>>
        %dma_start3A_33 = tpu.memref_slice %arg3[%add3A_21] : memref<320000xi32, #tpu.memory_space<hbm>> -> memref<80xi32, #tpu.memory_space<hbm>>
        tpu.enqueue_dma source(%dma_start3A_33 : memref<80xi32, #tpu.memory_space<hbm>>) target(%arg9 : memref<80xi32, #tpu.memory_space<vmem>>) target_semaphore(%run_scoped3A : memref<!tpu.dma_semaphore, #tpu.memory_space<semaphore_mem>>)
        %dma_wait3A_34 = tpu.memref_slice %arg3[%add3A_21] : memref<320000xi32, #tpu.memory_space<hbm>> -> memref<80xi32, #tpu.memory_space<hbm>>
        %dma_wait3A_35 = tpu.memref_slice %arg3[%add3A_21] : memref<320000xi32, #tpu.memory_space<hbm>> -> memref<80xi32, #tpu.memory_space<hbm>>
        tpu.wait_dma2 semaphore(%run_scoped3A : memref<!tpu.dma_semaphore, #tpu.memory_space<semaphore_mem>>) src(%dma_wait3A_35 : memref<80xi32, #tpu.memory_space<hbm>>) dst(%arg9 : memref<80xi32, #tpu.memory_space<vmem>>)
        tpu.yield
      }) : () -> ()
      "tpu.region"() ({
        %run_scoped3A = tpu.sem_alloc : memref<!tpu.dma_semaphore, #tpu.memory_space<semaphore_mem>>
        %dma_start3A_32 = tpu.memref_slice %arg4[%add3A_21] : memref<320000xi32, #tpu.memory_space<hbm>> -> memref<80xi32, #tpu.memory_space<hbm>>
        %dma_start3A_33 = tpu.memref_slice %arg4[%add3A_21] : memref<320000xi32, #tpu.memory_space<hbm>> -> memref<80xi32, #tpu.memory_space<hbm>>
        tpu.enqueue_dma source(%dma_start3A_33 : memref<80xi32, #tpu.memory_space<hbm>>) target(%arg10 : memref<80xi32, #tpu.memory_space<vmem>>) target_semaphore(%run_scoped3A : memref<!tpu.dma_semaphore, #tpu.memory_space<semaphore_mem>>)
        %dma_wait3A_34 = tpu.memref_slice %arg4[%add3A_21] : memref<320000xi32, #tpu.memory_space<hbm>> -> memref<80xi32, #tpu.memory_space<hbm>>
        %dma_wait3A_35 = tpu.memref_slice %arg4[%add3A_21] : memref<320000xi32, #tpu.memory_space<hbm>> -> memref<80xi32, #tpu.memory_space<hbm>>
        tpu.wait_dma2 semaphore(%run_scoped3A : memref<!tpu.dma_semaphore, #tpu.memory_space<semaphore_mem>>) src(%dma_wait3A_35 : memref<80xi32, #tpu.memory_space<hbm>>) dst(%arg10 : memref<80xi32, #tpu.memory_space<vmem>>)
        tpu.yield
      }) : () -> ()
      "tpu.region"() ({
        %run_scoped3A = tpu.sem_alloc : memref<!tpu.dma_semaphore, #tpu.memory_space<semaphore_mem>>
        %dma_start3A_32 = tpu.memref_slice %arg5[%add3A_21] : memref<320000xf32, #tpu.memory_space<hbm>> -> memref<80xf32, #tpu.memory_space<hbm>>
        %dma_start3A_33 = tpu.memref_slice %arg5[%add3A_21] : memref<320000xf32, #tpu.memory_space<hbm>> -> memref<80xf32, #tpu.memory_space<hbm>>
        tpu.enqueue_dma source(%dma_start3A_33 : memref<80xf32, #tpu.memory_space<hbm>>) target(%arg11 : memref<80xf32, #tpu.memory_space<vmem>>) target_semaphore(%run_scoped3A : memref<!tpu.dma_semaphore, #tpu.memory_space<semaphore_mem>>)
        %dma_wait3A_34 = tpu.memref_slice %arg5[%add3A_21] : memref<320000xf32, #tpu.memory_space<hbm>> -> memref<80xf32, #tpu.memory_space<hbm>>
        %dma_wait3A_35 = tpu.memref_slice %arg5[%add3A_21] : memref<320000xf32, #tpu.memory_space<hbm>> -> memref<80xf32, #tpu.memory_space<hbm>>
        tpu.wait_dma2 semaphore(%run_scoped3A : memref<!tpu.dma_semaphore, #tpu.memory_space<semaphore_mem>>) src(%dma_wait3A_35 : memref<80xf32, #tpu.memory_space<hbm>>) dst(%arg11 : memref<80xf32, #tpu.memory_space<vmem>>)
        tpu.yield
      }) : () -> ()
      %dma_start3A = arith.constant 0 : i32
      %dma_start3A_22 = arith.constant 0 : i32
      %dma_start3A_23 = tpu.memref_slice %arg2[%dma_start3A, %dma_start3A_22] : memref<10000x128xf32, #tpu.memory_space<hbm>> -> memref<10000x128xf32, #tpu.memory_space<hbm>>
      tpu.enqueue_indirect_dma source(%dma_start3A_23 : memref<10000x128xf32, #tpu.memory_space<hbm>>) target(%arg12 : memref<80x128xf32, #tpu.memory_space<vmem>>) offsets(%arg9 : memref<80xi32, #tpu.memory_space<vmem>>) semaphore(%arg14 : memref<!tpu.dma_semaphore, #tpu.memory_space<semaphore_mem>>)
      %dma_wait3A = arith.constant 0 : i32
      %dma_wait3A_24 = arith.constant 0 : i32
      %dma_wait3A_25 = tpu.memref_slice %arg2[%dma_wait3A, %dma_wait3A_24] : memref<10000x128xf32, #tpu.memory_space<hbm>> -> memref<10000x128xf32, #tpu.memory_space<hbm>>
      tpu.wait_indirect_dma semaphore(%arg14 : memref<!tpu.dma_semaphore, #tpu.memory_space<semaphore_mem>>) src(%dma_wait3A_25 : memref<10000x128xf32, #tpu.memory_space<hbm>>) dst(%arg12 : memref<80x128xf32, #tpu.memory_space<vmem>>)
      %scan3A_26 = arith.constant 0 : i32
      %scan3A_27 = arith.constant 0 : i32
      %scan3A_28 = arith.constant 80 : i32
      %scan3A_29 = arith.addi %scan3A_27, %scan3A_28 : i32
      %scan3A_30 = arith.constant 1 : i32
      scf.for %scan3A_32 = %scan3A_27 to %scan3A_29 step %scan3A_30  : i32 {
        %broadcast_in_dim3A = arith.constant 0 : i32
        %broadcast_in_dim3A_33 = vector.broadcast %broadcast_in_dim3A : i32 to vector<16xi32>
        %add3A_34 = vector.broadcast %scan3A_32 : i32 to vector<16xi32>
        %add3A_35 = arith.addi %broadcast_in_dim3A_33, %add3A_34 : vector<16xi32>
        %gather3A = tpu.vector_load_idx %arg11[%add3A_35] : memref<80xf32, #tpu.memory_space<vmem>>[vector<16xi32>], vector<16xf32>,
        %get3A = arith.index_cast %scan3A_32 : i32 to index
        %get3A_36 = arith.constant 0 : index
        %get3A_37 = tpu.vector_load %arg12[%get3A, %get3A_36] {strides = array<i32>} : memref<80x128xf32, #tpu.memory_space<vmem>>, vector<16xf32>,
        %mul3A_38 = arith.mulf %get3A_37, %gather3A : vector<16xf32>
        %swap3A = arith.index_cast %scan3A_32 : i32 to index
        %swap3A_39 = arith.constant 0 : index
        %swap3A_40 = tpu.vector_load %arg12[%swap3A, %swap3A_39] {strides = array<i32>} : memref<80x128xf32, #tpu.memory_space<vmem>>, vector<16xf32>,
        tpu.vector_store %arg12[%swap3A, %swap3A_39], %mul3A_38 {strides = array<i32>} : memref<80x128xf32, #tpu.memory_space<vmem>>, vector<16xf32>,
        %get3A_41 = arith.index_cast %scan3A_32 : i32 to index
        %get3A_42 = arith.constant 16 : index
        %get3A_43 = tpu.vector_load %arg12[%get3A_41, %get3A_42] {strides = array<i32>} : memref<80x128xf32, #tpu.memory_space<vmem>>, vector<16xf32>,
        %mul3A_44 = arith.mulf %get3A_43, %gather3A : vector<16xf32>
        %swap3A_45 = arith.index_cast %scan3A_32 : i32 to index
        %swap3A_46 = arith.constant 16 : index
        %swap3A_47 = tpu.vector_load %arg12[%swap3A_45, %swap3A_46] {strides = array<i32>} : memref<80x128xf32, #tpu.memory_space<vmem>>, vector<16xf32>,
        tpu.vector_store %arg12[%swap3A_45, %swap3A_46], %mul3A_44 {strides = array<i32>} : memref<80x128xf32, #tpu.memory_space<vmem>>, vector<16xf32>,
        %get3A_48 = arith.index_cast %scan3A_32 : i32 to index
        %get3A_49 = arith.constant 32 : index
        %get3A_50 = tpu.vector_load %arg12[%get3A_48, %get3A_49] {strides = array<i32>} : memref<80x128xf32, #tpu.memory_space<vmem>>, vector<16xf32>,
        %mul3A_51 = arith.mulf %get3A_50, %gather3A : vector<16xf32>
        %swap3A_52 = arith.index_cast %scan3A_32 : i32 to index
        %swap3A_53 = arith.constant 32 : index
        %swap3A_54 = tpu.vector_load %arg12[%swap3A_52, %swap3A_53] {strides = array<i32>} : memref<80x128xf32, #tpu.memory_space<vmem>>, vector<16xf32>,
        tpu.vector_store %arg12[%swap3A_52, %swap3A_53], %mul3A_51 {strides = array<i32>} : memref<80x128xf32, #tpu.memory_space<vmem>>, vector<16xf32>,
        %get3A_55 = arith.index_cast %scan3A_32 : i32 to index
        %get3A_56 = arith.constant 48 : index
        %get3A_57 = tpu.vector_load %arg12[%get3A_55, %get3A_56] {strides = array<i32>} : memref<80x128xf32, #tpu.memory_space<vmem>>, vector<16xf32>,
        %mul3A_58 = arith.mulf %get3A_57, %gather3A : vector<16xf32>
        %swap3A_59 = arith.index_cast %scan3A_32 : i32 to index
        %swap3A_60 = arith.constant 48 : index
        %swap3A_61 = tpu.vector_load %arg12[%swap3A_59, %swap3A_60] {strides = array<i32>} : memref<80x128xf32, #tpu.memory_space<vmem>>, vector<16xf32>,
        tpu.vector_store %arg12[%swap3A_59, %swap3A_60], %mul3A_58 {strides = array<i32>} : memref<80x128xf32, #tpu.memory_space<vmem>>, vector<16xf32>,
        %get3A_62 = arith.index_cast %scan3A_32 : i32 to index
        %get3A_63 = arith.constant 64 : index
        %get3A_64 = tpu.vector_load %arg12[%get3A_62, %get3A_63] {strides = array<i32>} : memref<80x128xf32, #tpu.memory_space<vmem>>, vector<16xf32>,
        %mul3A_65 = arith.mulf %get3A_64, %gather3A : vector<16xf32>
        %swap3A_66 = arith.index_cast %scan3A_32 : i32 to index
        %swap3A_67 = arith.constant 64 : index
        %swap3A_68 = tpu.vector_load %arg12[%swap3A_66, %swap3A_67] {strides = array<i32>} : memref<80x128xf32, #tpu.memory_space<vmem>>, vector<16xf32>,
        tpu.vector_store %arg12[%swap3A_66, %swap3A_67], %mul3A_65 {strides = array<i32>} : memref<80x128xf32, #tpu.memory_space<vmem>>, vector<16xf32>,
        %get3A_69 = arith.index_cast %scan3A_32 : i32 to index
        %get3A_70 = arith.constant 80 : index
        %get3A_71 = tpu.vector_load %arg12[%get3A_69, %get3A_70] {strides = array<i32>} : memref<80x128xf32, #tpu.memory_space<vmem>>, vector<16xf32>,
        %mul3A_72 = arith.mulf %get3A_71, %gather3A : vector<16xf32>
        %swap3A_73 = arith.index_cast %scan3A_32 : i32 to index
        %swap3A_74 = arith.constant 80 : index
        %swap3A_75 = tpu.vector_load %arg12[%swap3A_73, %swap3A_74] {strides = array<i32>} : memref<80x128xf32, #tpu.memory_space<vmem>>, vector<16xf32>,
        tpu.vector_store %arg12[%swap3A_73, %swap3A_74], %mul3A_72 {strides = array<i32>} : memref<80x128xf32, #tpu.memory_space<vmem>>, vector<16xf32>,
        %get3A_76 = arith.index_cast %scan3A_32 : i32 to index
        %get3A_77 = arith.constant 96 : index
        %get3A_78 = tpu.vector_load %arg12[%get3A_76, %get3A_77] {strides = array<i32>} : memref<80x128xf32, #tpu.memory_space<vmem>>, vector<16xf32>,
        %mul3A_79 = arith.mulf %get3A_78, %gather3A : vector<16xf32>
        %swap3A_80 = arith.index_cast %scan3A_32 : i32 to index
        %swap3A_81 = arith.constant 96 : index
        %swap3A_82 = tpu.vector_load %arg12[%swap3A_80, %swap3A_81] {strides = array<i32>} : memref<80x128xf32, #tpu.memory_space<vmem>>, vector<16xf32>,
        tpu.vector_store %arg12[%swap3A_80, %swap3A_81], %mul3A_79 {strides = array<i32>} : memref<80x128xf32, #tpu.memory_space<vmem>>, vector<16xf32>,
        %get3A_83 = arith.index_cast %scan3A_32 : i32 to index
        %get3A_84 = arith.constant 112 : index
        %get3A_85 = tpu.vector_load %arg12[%get3A_83, %get3A_84] {strides = array<i32>} : memref<80x128xf32, #tpu.memory_space<vmem>>, vector<16xf32>,
        %mul3A_86 = arith.mulf %get3A_85, %gather3A : vector<16xf32>
        %swap3A_87 = arith.index_cast %scan3A_32 : i32 to index
        %swap3A_88 = arith.constant 112 : index
        %swap3A_89 = tpu.vector_load %arg12[%swap3A_87, %swap3A_88] {strides = array<i32>} : memref<80x128xf32, #tpu.memory_space<vmem>>, vector<16xf32>,
        tpu.vector_store %arg12[%swap3A_87, %swap3A_88], %mul3A_86 {strides = array<i32>} : memref<80x128xf32, #tpu.memory_space<vmem>>, vector<16xf32>,
      }
      %scan3A_31 = arith.constant 80 : i32
      "tpu.region"() ({
        %run_scoped3A = tpu.sem_alloc : memref<!tpu.dma_semaphore, #tpu.memory_space<semaphore_mem>>
        %dma_start3A_32 = arith.constant 0 : i32
        %dma_start3A_33 = arith.constant 0 : i32
        %dma_start3A_34 = tpu.memref_slice %arg13[%dma_start3A_32, %dma_start3A_33] : memref<10240x128xf32, #tpu.memory_space<vmem_shared>> -> memref<10240x128xf32, #tpu.memory_space<vmem_shared>>
        tpu.enqueue_indirect_dma source(%arg12 : memref<80x128xf32, #tpu.memory_space<vmem>>) target(%dma_start3A_34 : memref<10240x128xf32, #tpu.memory_space<vmem_shared>>) offsets(%arg10 : memref<80xi32, #tpu.memory_space<vmem>>) semaphore(%run_scoped3A : memref<!tpu.dma_semaphore, #tpu.memory_space<semaphore_mem>>) {add = true}
        %dma_wait3A_35 = arith.constant 0 : i32
        %dma_wait3A_36 = arith.constant 0 : i32
        %dma_wait3A_37 = tpu.memref_slice %arg13[%dma_wait3A_35, %dma_wait3A_36] : memref<10240x128xf32, #tpu.memory_space<vmem_shared>> -> memref<10240x128xf32, #tpu.memory_space<vmem_shared>>
        tpu.wait_indirect_dma semaphore(%run_scoped3A : memref<!tpu.dma_semaphore, #tpu.memory_space<semaphore_mem>>) src(%arg12 : memref<80x128xf32, #tpu.memory_space<vmem>>) dst(%dma_wait3A_37 : memref<10240x128xf32, #tpu.memory_space<vmem_shared>>)
        tpu.yield
      }) : () -> ()
    }
    %scan3A_7 = arith.constant 125 : i32
    %barrier3A_8 = arith.constant 0 : index
    tpu.barrier barrier_id(%barrier3A_8)
    %eq3A = arith.constant 0 : i32
    %eq3A_9 = arith.cmpi eq, %arg0, %eq3A : i32
    %convert_element_type3A = arith.extui %eq3A_9 : i1 to i32
    %cond3A = arith.constant 0 : i32
    %cond3A_10 = arith.cmpi ne, %convert_element_type3A, %cond3A : i32
    scf.if %cond3A_10 {
      "tpu.region"() ({
        %run_scoped3A = tpu.sem_alloc : memref<!tpu.dma_semaphore, #tpu.memory_space<semaphore_mem>>
        %dma_start3A = arith.constant 0 : i32
        %dma_start3A_16 = tpu.memref_slice %arg7[%mul3A_2, %dma_start3A] : memref<10240x128xf32, #tpu.memory_space<hbm>> -> memref<640x128xf32, #tpu.memory_space<hbm>>
        %dma_start3A_17 = arith.constant 0 : i32
        %dma_start3A_18 = tpu.memref_slice %arg13[%mul3A_2, %dma_start3A_17] : memref<10240x128xf32, #tpu.memory_space<vmem_shared>> -> memref<640x128xf32, #tpu.memory_space<vmem_shared>>
        tpu.enqueue_dma source(%dma_start3A_18 : memref<640x128xf32, #tpu.memory_space<vmem_shared>>) target(%dma_start3A_16 : memref<640x128xf32, #tpu.memory_space<hbm>>) target_semaphore(%run_scoped3A : memref<!tpu.dma_semaphore, #tpu.memory_space<semaphore_mem>>)
        %dma_wait3A = arith.constant 0 : i32
        %dma_wait3A_19 = tpu.memref_slice %arg7[%mul3A_2, %dma_wait3A] : memref<10240x128xf32, #tpu.memory_space<hbm>> -> memref<640x128xf32, #tpu.memory_space<hbm>>
        %dma_wait3A_20 = arith.constant 0 : i32
        %dma_wait3A_21 = tpu.memref_slice %arg13[%mul3A_2, %dma_wait3A_20] : memref<10240x128xf32, #tpu.memory_space<vmem_shared>> -> memref<640x128xf32, #tpu.memory_space<vmem_shared>>
        tpu.wait_dma2 semaphore(%run_scoped3A : memref<!tpu.dma_semaphore, #tpu.memory_space<semaphore_mem>>) src(%dma_wait3A_21 : memref<640x128xf32, #tpu.memory_space<vmem_shared>>) dst(%dma_wait3A_19 : memref<640x128xf32, #tpu.memory_space<hbm>>)
        tpu.yield
      }) : () -> ()
    } else {
    }
    %eq3A_11 = arith.constant 1 : i32
    %eq3A_12 = arith.cmpi eq, %arg0, %eq3A_11 : i32
    %convert_element_type3A_13 = arith.extui %eq3A_12 : i1 to i32
    %cond3A_14 = arith.constant 0 : i32
    %cond3A_15 = arith.cmpi ne, %convert_element_type3A_13, %cond3A_14 : i32
    scf.if %cond3A_15 {
      "tpu.region"() ({
        %run_scoped3A = tpu.sem_alloc : memref<!tpu.dma_semaphore, #tpu.memory_space<semaphore_mem>>
        %dma_start3A = arith.constant 0 : i32
        %dma_start3A_16 = tpu.memref_slice %arg8[%mul3A_2, %dma_start3A] : memref<10240x128xf32, #tpu.memory_space<hbm>> -> memref<640x128xf32, #tpu.memory_space<hbm>>
        %dma_start3A_17 = arith.constant 0 : i32
        %dma_start3A_18 = tpu.memref_slice %arg13[%mul3A_2, %dma_start3A_17] : memref<10240x128xf32, #tpu.memory_space<vmem_shared>> -> memref<640x128xf32, #tpu.memory_space<vmem_shared>>
        tpu.enqueue_dma source(%dma_start3A_18 : memref<640x128xf32, #tpu.memory_space<vmem_shared>>) target(%dma_start3A_16 : memref<640x128xf32, #tpu.memory_space<hbm>>) target_semaphore(%run_scoped3A : memref<!tpu.dma_semaphore, #tpu.memory_space<semaphore_mem>>)
        %dma_wait3A = arith.constant 0 : i32
        %dma_wait3A_19 = tpu.memref_slice %arg8[%mul3A_2, %dma_wait3A] : memref<10240x128xf32, #tpu.memory_space<hbm>> -> memref<640x128xf32, #tpu.memory_space<hbm>>
        %dma_wait3A_20 = arith.constant 0 : i32
        %dma_wait3A_21 = tpu.memref_slice %arg13[%mul3A_2, %dma_wait3A_20] : memref<10240x128xf32, #tpu.memory_space<vmem_shared>> -> memref<640x128xf32, #tpu.memory_space<vmem_shared>>
        tpu.wait_dma2 semaphore(%run_scoped3A : memref<!tpu.dma_semaphore, #tpu.memory_space<semaphore_mem>>) src(%dma_wait3A_21 : memref<640x128xf32, #tpu.memory_space<vmem_shared>>) dst(%dma_wait3A_19 : memref<640x128xf32, #tpu.memory_space<hbm>>)
        tpu.yield
      }) : () -> ()
    } else {
    }
    return
  }
}

module attributes {stable_mosaic.version = 14 : i64} {
  func.func @_combine_body(%arg0: i32, %arg1: memref<1000x128xf32, #tpu.memory_space<vmem>>, %arg2: memref<1000x128xf32, #tpu.memory_space<vmem>>, %arg3: memref<1000x128xf32, #tpu.memory_space<vmem>>) attributes {dimension_semantics = [#tpu.dimension_semantics<arbitrary>], iteration_bounds = array<i64: 10>, scalar_prefetch = 0 : i64, scratch_operands = 0 : i64, tpu.core_type = #tpu.core_type<tc>, window_params = [{transform_indices = @transform_0, window_bounds = array<i64: 1000, 128>}, {transform_indices = @transform_1, window_bounds = array<i64: 1000, 128>}, {transform_indices = @transform_2, window_bounds = array<i64: 1000, 128>}]} {
    %get3A = arith.constant 0 : index
    %get3A_0 = arith.constant 0 : index
    %get3A_1 = vector.load %arg1[%get3A, %get3A_0] : memref<1000x128xf32, #tpu.memory_space<vmem>>, vector<1000x128xf32>
    %get3A_2 = arith.constant 0 : index
    %get3A_3 = arith.constant 0 : index
    %get3A_4 = vector.load %arg2[%get3A_2, %get3A_3] : memref<1000x128xf32, #tpu.memory_space<vmem>>, vector<1000x128xf32>
    %add3A = arith.addf %get3A_1, %get3A_4 : vector<1000x128xf32>
    %neg3A = arith.constant 0.000000e+00 : f32
    %neg3A_5 = vector.broadcast %neg3A : f32 to vector<1000x128xf32>
    %neg3A_6 = arith.subf %neg3A_5, %add3A : vector<1000x128xf32>
    %exp3A = math.exp %neg3A_6 : vector<1000x128xf32>
    %add3A_7 = arith.constant 1.000000e+00 : f32
    %add3A_8 = vector.broadcast %add3A_7 : f32 to vector<1000x128xf32>
    %add3A_9 = arith.addf %add3A_8, %exp3A : vector<1000x128xf32>
    %div3A = arith.constant 1.000000e+00 : f32
    %div3A_10 = vector.broadcast %div3A : f32 to vector<1000x128xf32>
    %div3A_11 = arith.divf %div3A_10, %add3A_9 : vector<1000x128xf32>
    %swap3A = arith.constant 0 : index
    %swap3A_12 = arith.constant 0 : index
    %swap3A_13 = vector.load %arg3[%swap3A, %swap3A_12] : memref<1000x128xf32, #tpu.memory_space<vmem>>, vector<1000x128xf32>
    tpu.vector_store %arg3[%swap3A, %swap3A_12], %div3A_11 {strides = array<i32>} : memref<1000x128xf32, #tpu.memory_space<vmem>>, vector<1000x128xf32>,
    return
  }
  func.func @transform_0(%arg0: i32) -> (i32, i32) {
    %c0_i32 = arith.constant 0 : i32
    %c0_i32_0 = arith.constant 0 : i32
    return %arg0, %c0_i32 : i32, i32
  }
  func.func @transform_1(%arg0: i32) -> (i32, i32) {
    %c0_i32 = arith.constant 0 : i32
    %c0_i32_0 = arith.constant 0 : i32
    return %arg0, %c0_i32 : i32, i32
  }
  func.func @transform_2(%arg0: i32) -> (i32, i32) {
    %c0_i32 = arith.constant 0 : i32
    %c0_i32_0 = arith.constant 0 : i32
    return %arg0, %c0_i32 : i32, i32
  }
}

</mosaic_0001>

<sc_bundles>
// kernel: kernel.4.cloned.1.call-start
scs
__scs_entry_jumppad:
0x0: {  	(pc) =	sbr.rel $0x88, $3  }
0x1: {  	(tag) =	ssettag $0x0;
	lr =	simm.s32 $0x1  }
0x2: {  	[smem:$0x3F9E] =	sst lr;
	_ =	strace $0xD0000000  }
0x3: {  	_ = 	snop  }
0x4: {  	_ = 	snop  }
0x5: {  	_ = 	snop  }
0x6: {  	_ = 	snop  }
0x7: {  	_ = 	snop  }
__scs_overlays_trampoline_lowered:
0x8: {  	[smem:$0x3FAD] =	sst s0  }
0x9: {  	[smem:$0x3FAE] =	sst s1  }
0xa: {  	[smem:$0x3FAF] =	sst s2  }
0xb: {  	[smem:$0x3FB0] =	sst s3  }
0xc: {  	[smem:$0x3FB1] =	sst s4  }
0xd: {  	[smem:$0x3FB2] =	sst s5  }
0xe: {  	[smem:$0x3FB3] =	sst s6  }
0xf: {  	[smem:$0x3FB4] =	sst s7  }
0x10: {  	[smem:$0x3FB5] =	sst s8  }
0x11: {  	[smem:$0x3FB6] =	sst s9;
	s0 =	simm.s32 @!p0 $0x0  }
0x12: {  	s1 =	sld [smem:$0x3F9C];
	s0 =	simm.s32 @p0 $0x1  }
0x13: {  	[smem:$0x3FB7] =	sst s0;
	s0 =	simm.s32 @!p1 $0x0  }
0x14: {  	s2 =	sld [smem:$0x3F9B];
	s0 =	simm.s32 @p1 $0x1  }
0x15: {  	[smem:$0x3FB8] =	sst s0;
	s0 =	simm.s32 @!p2 $0x0  }
0x16: {  	s3 =	sld [smem:$0x3FDB];
	s0 =	simm.s32 @p2 $0x1  }
0x17: {  	s4 =	simm.s32 $0x1BF5;
	[smem:$0x3FBA] =	sst s0  }
0x18: {  	s0 =	sld [smem:$0x3F9D];
	_ =	swait.ge [sflag:s4], $0x0  }
0x19: {  	s7 =	sld [smem:$0x3F9E]  }
0x1a: {  	s8 =	sadd.s32 $0xFFFFE003, lr  }
0x1b: {  	s9 =	sadd.s32 $0xFFFFFEF7, lr;
	s5 =	simm.s32 $0xFFFFFFFF;
	p2 =	slt.u32 s8, $0xFFFFF086  }
0x1c: {  	p1 =	slt.u32 s9, $0xF7A;
	s5 =	simm.s32 @!p2 $0x0  }
0x1d: {  	s5 =	simm.s32 @p1 $0x1;
	p0 =	seq.s32 s7, s2  }
0x1e: {  	s7 =	smul.u32 @!p0 $0xF7A, s2;
	p2 =	seq.s32 @!p0 s5, $0x0  }
0x1f: {  	s9 =	smul.u32 $0xF7A, s1;
	s8 =	simm.s32 @!p0 $0x1BF5;
	p2 =	por !p2, p0  }
0x20: {  	[sflag:s8] =	ssyncset.s32 @!p0 $0xFFFFF086;
	s6 =	sadd.s32 @!p0 s3, s7;
	s7 =	simm.s32 @!p0 $0x108  }
0x21: {  	s3 =	sadd.s32 s3, s9;
	s6 =	sadd.s32 @!p0 $0x88, s6;
	s7 =	simm.s32 @p2 $0x1082  }
0x22: {  	[simem:s7], [sflag:s8] =	dma.local @!p0 [hbm:s6], $0xF7A  }
0x23: {  	s9 =	sor.u32 $0xD0000000, s2;
	s6 =	simm.s32 $0x108;
	_ =	swait.ge @!p0 [sflag:s8], $0x0  }
0x24: {  	s3 =	sadd.s32 $0x88, s3;
	s6 =	simm.s32 @!p1 $0x1082;
	[sflag:s4] =	ssyncset.s32 $0xFFFFF086  }
0x25: {  	[simem:s6], [sflag:s4] =	dma.local [hbm:s3], $0xF7A  }
0x26: {  	[smem:$0x3F9E] =	sst s1;
	(tag) =	ssettag s2;
	_ =	strace s9  }
0x27: {  	s1 =	sld [smem:$0x3FAE]  }
0x28: {  	s2 =	sld [smem:$0x3FAF]  }
0x29: {  	s4 =	sld [smem:$0x3FB1]  }
0x2a: {  	p0 =	seq.s32 s5, $0x0;
	s5 =	sld [smem:$0x3FB2]  }
0x2b: {  	s6 =	sld [smem:$0x3FB3]  }
0x2c: {  	s7 =	sld [smem:$0x3FB4]  }
0x2d: {  	s3 =	simm.s32 $0x108;
	s8 =	sld [smem:$0x3FB5]  }
0x2e: {  	s3 =	simm.s32 @!p0 $0x1082;
	s9 =	sld [smem:$0x3FB6]  }
0x2f: {  	lr =	sadd.s32 s0, s3;
	s0 =	sld [smem:$0x3FAD]  }
0x30: {  	s3 =	sld [smem:$0x3FB0]  }
0x31: {  	[smem:$0x3FB9] =	sst s10  }
0x32: {  	s10 =	sld [smem:$0x3FB7];
	_ =	sdelay $0x3  }
0x33: {  	p0 =	seq.s32 s10, $0x1;
	s10 =	sld [smem:$0x3FB9];
	_ =	sdelay $0x3  }
0x34: {  	[smem:$0x3FB9] =	sst s10  }
0x35: {  	s10 =	sld [smem:$0x3FB8];
	_ =	sdelay $0x3  }
0x36: {  	p1 =	seq.s32 s10, $0x1;
	s10 =	sld [smem:$0x3FB9];
	_ =	sdelay $0x3  }
0x37: {  	[smem:$0x3FB9] =	sst s10  }
0x38: {  	s10 =	sld [smem:$0x3FBA]  }
0x39: {  	_ = 	snop;
	(pc) =	sbr.ind lr, $3  }
0x3a: {  	_ = 	snop  }
0x3b: {  	_ = 	snop  }
0x3c: {  	p2 =	seq.s32 s10, $0x1;
	s10 =	sld [smem:$0x3FB9]  }
0x3d: {  	_ =	shalt  }
0x3e: {  	_ =	shalt  }
0x3f: {  	_ =	shalt  }
0x40: {  	_ =	shalt  }
0x41: {  	_ =	shalt  }
0x42: {  	_ =	shalt  }
0x43: {  	_ =	shalt  }
0x44: {  	_ =	shalt  }
0x45: {  	_ =	shalt  }
0x46: {  	_ =	shalt  }
0x47: {  	_ =	shalt  }
0x48: {  	_ =	shalt  }
0x49: {  	_ =	shalt  }
0x4a: {  	_ =	shalt  }
0x4b: {  	_ =	shalt  }
0x4c: {  	_ =	shalt  }
0x4d: {  	_ =	shalt  }
0x4e: {  	_ =	shalt  }
0x4f: {  	_ =	shalt  }
0x50: {  	_ =	shalt  }
0x51: {  	_ =	shalt  }
0x52: {  	_ =	shalt  }
0x53: {  	_ =	shalt  }
0x54: {  	_ =	shalt  }
0x55: {  	_ =	shalt  }
0x56: {  	_ =	shalt  }
0x57: {  	_ =	shalt  }
0x58: {  	_ =	shalt  }
0x59: {  	_ =	shalt  }
0x5a: {  	_ =	shalt  }
0x5b: {  	_ =	shalt  }
0x5c: {  	_ =	shalt  }
0x5d: {  	_ =	shalt  }
0x5e: {  	_ =	shalt  }
0x5f: {  	_ =	shalt  }
0x60: {  	_ =	shalt  }
0x61: {  	_ =	shalt  }
0x62: {  	_ =	shalt  }
0x63: {  	_ =	shalt  }
0x64: {  	_ =	shalt  }
0x65: {  	_ =	shalt  }
0x66: {  	_ =	shalt  }
0x67: {  	_ =	shalt  }
0x68: {  	_ =	shalt  }
0x69: {  	_ =	shalt  }
0x6a: {  	_ =	shalt  }
0x6b: {  	_ =	shalt  }
0x6c: {  	_ =	shalt  }
0x6d: {  	_ =	shalt  }
0x6e: {  	_ =	shalt  }
0x6f: {  	_ =	shalt  }
0x70: {  	_ =	shalt  }
0x71: {  	_ =	shalt  }
0x72: {  	_ =	shalt  }
0x73: {  	_ =	shalt  }
0x74: {  	_ =	shalt  }
0x75: {  	_ =	shalt  }
0x76: {  	_ =	shalt  }
0x77: {  	_ =	shalt  }
0x78: {  	_ =	shalt  }
0x79: {  	_ =	shalt  }
0x7a: {  	_ =	shalt  }
0x7b: {  	_ =	shalt  }
0x7c: {  	_ =	shalt  }
0x7d: {  	_ =	shalt  }
0x7e: {  	_ =	shalt  }
0x7f: {  	_ =	shalt  }
0x80: {  	_ =	shalt  }
0x81: {  	_ =	shalt  }
0x82: {  	_ =	shalt  }
0x83: {  	_ =	shalt  }
0x84: {  	_ =	shalt  }
0x85: {  	_ =	shalt  }
0x86: {  	_ =	shalt  }
0x87: {  	_ =	shalt  }
.Lfunc_end0:
.L_simem_size_0:
called_computation_lowered:
.L_overlay_start_0:
0x88: {  	s2 =	sld [smem:$0x3FD9]  }
0x89: {  	s3 =	sld [smem:$0x3FFE];
	_ =	sdelay $0x1  }
0x8a: {  	s1 =	srdreg.scid  }
0x8b: {  	s0 =	sand.u32 $0x1, s1  }
0x8c: {  	s17 =	sshll.u32 s0, $0xA;
	s2 =	sadd.s32 s3, s2  }
0x8d: {  	s2 =	sadd.s32 s2, s17  }
0x8e: {  	[smem:$0x3FC5] =	sst s2  }
0x8f: {  	_ = 	snop  }
0x90: {  	s2 =	sld [smem:$0x3FC9]  }
0x91: {  	s18 =	sld [smem:$0x3FC7]  }
0x92: {  	s4 =	sld [smem:$0x3FD0];
	(tm) =	ssettm $0x1  }
0x93: {  	s5 =	sld [smem:$0x3FFB];
	_ =	sdelay $0x3  }
0x94: {  	_ =	strace s5  }
0x95: {  	s5 =	sld [smem:$0x3FFC];
	_ =	sdelay $0x3  }
0x96: {  	_ =	strace s5  }
0x97: {  	s5 =	sld [smem:$0x3FFD];
	_ =	sdelay $0x3  }
0x98: {  	_ =	strace s5  }
0x99: {  	_ =	strace $0x8FFFFFFF  }
0x9a: {  	s19 =	sld [smem:$0x3FDB];
	_ =	sdelay $0x1  }
0x9b: {  	s6 =	simm.s32 $_scs_section_size  }
0x9c: {  	s7 =	simm.s32 $_size__tile_overlayer_lowered;
	s8 =	simm.s32 $_tile_overlayer_lowered  }
0x9d: {  	s22 =	simm.s32 $0x1BFF;
	s21 =	sshll.u32 s8, $0x1;
	s5 =	sadd.s32 s6, s19  }
0x9e: {  	s9 =	simm.s32 $0x0;
	s20 =	sshll.u32 s7, $0x1;
	s7 =	sadd.s32 s21, s5  }
0x9f: {  	[timem:s9], [sflag:s22] =	dma.local [hbm:s7], s20  }
0xa0: {  	_ =	swait.ge [sflag:s22], s20  }
0xa1: {  	s6 =	ssub.s32 $0x0, s20;
	[sflag:s22] =	ssyncset.done $0x0  }
0xa2: {  	[sflag:s22] =	ssyncadd.s32 s6;
	_ =	sdelay $0x1  }
0xa3: {  	s23 =	simm.s32 $0x1B8B  }
0xa4: {  	_ =	swait.ge [sflag:s23], $0x1  }
0xa5: {  	[sflag:s23] =	ssyncset.done $0x0  }
0xa6: {  	s25 =	simm.s32 $0x1B8E;
	s24 =	sld [smem:$0x3FFE];
	[sflag:s23] =	ssyncadd.s32 $0xFFFFFFFF  }
0xa7: {  	s26 =	simm.s32 $execute0_lowered;
	[smem:$0x3FD2] =	sst s25  }
0xa8: {  	s7 =	sshll.u32 s26, $0x1;
	_ =	strace $0x80000046;
	[dreg:$0x1] =	wrdreg $0xFFFFFFFF  }
0xa9: {  	s28 =	simm.s32 $_size_execute0_lowered;
	s5 =	sadd.s32 s5, s7;
	[dreg:$0x0] =	wrdreg $0x0  }
0xaa: {  	s7 =	sshll.u32 s28, $0x1;
	[dreg:$0x2] =	wrdreg s5  }
0xab: {  	[dreg:$0x3] =	wrdreg s7  }
0xac: {  	[dreg:$0x4] =	wrdreg $0xC0  }
0xad: {  	_ =	task [dreg:s9], $0x5FFFF  }
0xae: {  	[dreg:$0x1] =	wrdreg $0xFFFFFFFF  }
0xaf: {  	[dreg:$0x0] =	wrdreg $0x60  }
0xb0: {  	[dreg:$0x2] =	wrdreg s2  }
0xb1: {  	[dreg:$0x3] =	wrdreg s24  }
0xb2: {  	[dreg:$0x4] =	wrdreg s4  }
0xb3: {  	[dreg:$0x5] =	wrdreg s18  }
0xb4: {  	[dreg:$0x6] =	wrdreg $0x29800  }
0xb5: {  	[dreg:$0x7] =	wrdreg $0x9  }
0xb6: {  	_ =	task.clear_ibuf [dreg:s9], $0x8FFFF;
	_ =	strace $0x90000046  }
0xb7: {  	s29 =	simm.s32 $0x9;
	_ =	strace $0x80000048  }
0xb8: {  	_ =	swait.ge [sflag:s29], $0x1  }
0xb9: {  	[sflag:s29] =	ssyncadd.s32 $0xFFFFFFFF  }
0xba: {  	_ =	strace $0x90000048  }
0xbb: {  	_ =	sfence  }
0xbc: {  	s30 =	sld [smem:$0x0];
	_ =	sdelay $0x2  }
0xbd: {  	s31 =	sshll.u32 s1, $0xD;
	s1 =	sshrl.u32 s1, $0x2  }
0xbe: {  	s3 =	sand.u32 $0x4000, s31;
	s1 =	sadd.s32 s1, s30  }
0xbf: {  	s0 =	sor.u32 s3, s0;
	s1 =	sshll.u32 s1, $0x11  }
0xc0: {  	s0 =	sor.u32 s1, s0  }
0xc1: {  	s0 =	sadd.s32 $0x8F2B, s0  }
0xc2: {  	[sflag:s0] =	ssyncadd.remote.s32 $0x1  }
0xc3: {  	_ =	sfence.sel $0xFFFF  }
0xc4: {  	[dreg:$0x0] =	wrdreg $0xFFFFFFFF;
	(pc) =	sbr.abs _section_cstart, $3  }
0xc5: {  	[dreg:$0x1] =	wrdreg $0xFFFFFFFF  }
0xc6: {  	_ =	task.clear_ibuf [dreg:s9], $0x2FFFF;
	_ =	strace $0x9FFFFFFF  }
0xc7: {  	(tm) =	ssettm $0x7FFFFFFF  }
tec
execute0_lowered:
.L_overlay_start_1:
0x0: {  	(tag) =	ssettag $0x1  }
0x1: {  	s1 =	rddreg [dreg:$0x0]  }
0x2: {  	s8 =	rddreg [dreg:$0x1]  }
0x3: {  	s2 =	rddreg [dreg:$0x2]  }
0x4: {  	s4 =	rddreg [dreg:$0x3]  }
0x5: {  	s5 =	rddreg [dreg:$0x4]  }
0x6: {  	s0 =	rddreg [dreg:$0x5]  }
0x7: {  	s6 =	simm.s32 $0x0;
	s3 =	stileid.u32;
	s7 =	srdreg.scid  }
0x8: {  	s15 =	simm.s32 $0x5A200;
	s16 =	simm.s32 $0x100;
	s17 =	simm.s32 $0x50  }
0x9: {  	s18 =	simm.s32 $0x180;
	s19 =	simm.s32 $0x1;
	s9 =	smul.u32 $0x2800, s3  }
0xa: {  	[smem:$0x7FF] =	sst s6;
	s10 =	sand.u32 $0x1, s7;
	s12 =	smul.u32 $0x50000, s3  }
0xb: {  	s7 =	sadd.s32 $0x400, s8;
	s28 =	sshll.u32 s3, $0x1;
	s31 =	sshll.u32 s3, $0x6  }
0xc: {  	_ =	strace $0x80000047;
	s11 =	ssub.s32 $0x2, s10;
	s30 =	sor.u32 s10, s28  }
0xd: {  	p0 =	seq.s32 s10, $0x1;
	s13 =	sadd.s32 s9, s8;
	s26 =	sshrl.u32 s11, $0x1  }
0xe: {  	s29 =	sshrl.u32 s12, $0x2;
	s9 =	sor.u32 $0x1C02, s31;
	s10 =	smul.u32 $0x2710, s30  }
0xf: {  	s15 =	simm.s32 @!p0 $0x32200;
	s11 =	ssub.s32 s11, s26;
	s14 =	sadd.s32 s29, s5  }
0x10: {  	s8 =	sadd.s32 $0xA200, s13;
	s12 =	sadd.s32 s15, s13;
	s15 =	simm.s32 $0x80  }
0x11: {  	s11 =	smax.u32 s11, $0x1;
	s13 =	sshrl.u32 s14, $0x3;
	s14 =	simm.s32 $0x2  }
.LBB2_1:
0x12: {  	[spmem:s13], [sflag:s9] =	dma.local [hbm:s8], $0x2800  }
0x13: {  	_ =	swait.ge [sflag:s14], $0x2800  }
0x14: {  	[sflag:s14] =	ssyncset.done $0x0  }
0x15: {  	[sflag:s14] =	ssyncadd.s32 $0xFFFFD800  }
0x16: {  	s20 =	simm.s32 $0x0;
	[bflag:$0x0] =	sbarrier.arrive $0xFFFF  }
.LBB2_2:
0x17: {  	s21 =	smul.u32 $0x50, s20;
	_ =	sdelay $0x1  }
0x18: {  	s21 =	sadd.s32 s10, s21  }
0x19: {  	s21 =	sshrl.u32 s21, $0x3  }
0x1a: {  	s23 =	simm.s32 $0x0;
	s22 =	sadd.s32 s7, s21  }
0x1b: {  	[tilespmem:s23], [sflag:$0x2] =	stream.linear.gather [hbm4b:s22+s23], $0x50, $0x38;
	[tilespmem:$0x16980] =	vst v63  }
0x1c: {  	_ =	swait.ge [sflag:s14], $0x50  }
0x1d: {  	[sflag:s14] =	ssyncset.done $0x0  }
0x1e: {  	s31 =	sadd.s32 s2, s21;
	[sflag:s14] =	ssyncadd.s32 $0xFFFFFFB0  }
0x1f: {  	[tilespmem:s15], [sflag:$0x2] =	stream.linear.gather [hbm4b:s31+s23], $0x50, $0x38;
	[tilespmem:$0x16980] =	vst v63  }
0x20: {  	_ =	swait.ge [sflag:s14], $0x50  }
0x21: {  	[sflag:s14] =	ssyncset.done $0x0  }
0x22: {  	s21 =	sadd.s32 s4, s21;
	[sflag:s14] =	ssyncadd.s32 $0xFFFFFFB0  }
0x23: {  	[tilespmem:s16], [sflag:$0x2] =	stream.linear.gather [hbm4b:s21+s23], $0x50, $0x38;
	[tilespmem:$0x16980] =	vst v63  }
0x24: {  	_ =	swait.ge [sflag:s14], $0x50  }
0x25: {  	[sflag:s14] =	ssyncset.done $0x0  }
0x26: {  	[sflag:s14] =	ssyncadd.s32 $0xFFFFFFB0  }
0x27: {  	[tilespmem:s18], [sflag:$0x1] =	stream.indirect.gather [hbm4b:s1+s17], $0x80, s23, s17, $0xb8;
	[tilespmem:$0x16980] =	vst v63  }
0x28: {  	_ =	swait.ge [sflag:s19], $0x2800  }
0x29: {  	v0 =	vmov s23;
	[sflag:s19] =	ssyncset.done $0x0  }
0x2a: {  	s21 =	simm.s32 $0x1C0;
	[sflag:s19] =	ssyncadd.s32 $0xFFFFD800  }
0x2b: {  	v4 =	vld [tilespmem:s21+$0x30]  }
0x2c: {  	v7 =	vld [tilespmem:s21+$0x10]  }
0x2d: {  	v5 =	vld [tilespmem:s21+$0xFFFFFFC0]  }
0x2e: {  	v1 =	vld.idx.msk [tilespmem:v0+s16+$0x0], $0xffff  }
0x2f: {  	v9 =	vld [tilespmem:s21+$0xFFFFFFE0]  }
0x30: {  	v0 =	vld [tilespmem:s21+$0xFFFFFFF0]  }
0x31: {  	v2 =	vld [tilespmem:s21+$0x20]  }
0x32: {  	v3 =	vld [tilespmem:s21+$0xFFFFFFD0]  }
0x33: {  	v8 =	vmul.f32 v4, v1;
	v4 =	vld [tilespmem:s21+$0x0]  }
0x34: {  	v6 =	vmul.f32 v5, v1  }
0x35: {  	s22 =	simm.s32 $0x1;
	s23 =	simm.s32 $0x1C0;
	v5 =	vmul.f32 v9, v1;
	v7 =	vmul.f32 v7, v1  }
.LBB2_3:
0x36: {  	p0 =	sne.s32 s22, $0x4F  }
0x37: {  	v3 =	vmul.f32 v3, v1;
	v2 =	vmul.f32 v2, v1;
	[tilespmem:s21+$0x30] =	vst v8;
	s23 =	sadd.s32 $0x80, s23;
	s24 =	smov.u32 s22;
	s22 =	sadd.s32 $0x1, s22  }
0x38: {  	[tilespmem:s21+$0xFFFFFFC0] =	vst v6;
	v6 =	vmul.f32 v0, v1;
	v1 =	vmul.f32 v4, v1  }
0x39: {  	[tilespmem:s21+$0x10] =	vst v7  }
0x3a: {  	v4 =	vmov s24;
	[tilespmem:s21+$0xFFFFFFE0] =	vst v5  }
0x3b: {  	v0 =	vld [tilespmem:s23+$0xFFFFFFF0];
	[tilespmem:s21+$0xFFFFFFF0] =	vst v6  }
0x3c: {  	v5 =	vld [tilespmem:s23+$0x30];
	[tilespmem:s21+$0x0] =	vst v1  }
0x3d: {  	v7 =	vld [tilespmem:s23+$0x10];
	[tilespmem:s21+$0x20] =	vst v2  }
0x3e: {  	v6 =	vld [tilespmem:s23+$0xFFFFFFC0];
	[tilespmem:s21+$0xFFFFFFD0] =	vst v3;
	s21 =	smov.u32 s23  }
0x3f: {  	v1 =	vld.idx.msk [tilespmem:v4+s16+$0x0], $0xffff  }
0x40: {  	v9 =	vld [tilespmem:s23+$0xFFFFFFE0]  }
0x41: {  	v2 =	vld [tilespmem:s23+$0x20]  }
.Ltmp0:
0x42: {  	v3 =	vld [tilespmem:s23+$0xFFFFFFD0];
	(pc) =	sbr.rel @p0 .LBB2_3-.Ltmp0, $3  }
0x43: {  	v4 =	vld [tilespmem:s23+$0x0];
	_ =	sdelay $0x1  }
0x44: {  	v6 =	vmul.f32 v6, v1;
	v8 =	vmul.f32 v5, v1  }
0x45: {  	v7 =	vmul.f32 v7, v1;
	v5 =	vmul.f32 v9, v1  }
0x46: {  	[tilespmem:s21+$0x30] =	vst v8  }
0x47: {  	[tilespmem:s21+$0xFFFFFFC0] =	vst v6  }
0x48: {  	v0 =	vmul.f32 v0, v1;
	[tilespmem:s21+$0x10] =	vst v7  }
0x49: {  	v2 =	vmul.f32 v2, v1;
	[tilespmem:s21+$0xFFFFFFE0] =	vst v5  }
0x4a: {  	v63 =	vmul.f32 v3, v1;
	[tilespmem:s21+$0xFFFFFFF0] =	vst v0  }
0x4b: {  	s20 =	sadd.s32 $0x1, s20;
	v4 =	vmul.f32 v4, v1;
	[tilespmem:s21+$0x20] =	vst v2  }
0x4c: {  	p0 =	sne.s32 s20, $0x7D;
	[tilespmem:s21+$0xFFFFFFD0] =	vst v63  }
.Ltmp1:
0x4d: {  	[tilespmem:s21+$0x0] =	vst v4;
	(pc) =	sbr.rel @p0 .LBB2_2-.Ltmp1, $4  }
0x4e: {  	[spmem:s5] =	stream.indirect.scatter.add.f32 [tilespmem:s18], [sflag:$0x2], $0x80, s15, s17, $0xb8;
	[tilespmem:$0x16980] =	vst v63  }
0x4f: {  	_ =	swait.ge [sflag:s14], $0x2800  }
0x50: {  	[sflag:s14] =	ssyncset.done $0x0  }
0x51: {  	[sflag:s14] =	ssyncadd.s32 $0xFFFFD800  }
0x52: {  	s6 =	sadd.s32 $0x1, s6  }
0x53: {  	p0 =	sne.s32 s6, s11  }
.Ltmp2:
0x54: {  	[bflag:$0x0] =	sbarrier.arrive $0xFFFF;
	(pc) =	sbr.rel @p0 .LBB2_1-.Ltmp2, $4  }
0x55: {  	[hbm:s12], [sflag:s9] =	dma.local [spmem:s13], $0x2800  }
0x56: {  	_ =	swait.ge [sflag:s14], $0x2800  }
0x57: {  	[sflag:s14] =	ssyncset.done $0x0  }
0x58: {  	[sflag:s14] =	ssyncadd.s32 $0xFFFFD800  }
0x59: {  	_ =	sfence.sel $0x180000  }
0x5a: {  	[bflag:$0x0] =	sbarrier.arrive $0xFFFF  }
0x5b: {  	p0 =	sne.s32 s3, $0x0;
	_ =	strace $0x90000047  }
0x5c: {  	s0 =	sadd.s32 @!p0 $0x100000, s0;
	[bflag:$0x2] =	sbarrier.arrive $0xFFFF  }
0x5d: {  	[sflag:s0] =	ssyncadd.tile.s32 @!p0 $0x1;
	_ =	shalt  }
.Lfunc_end2:
_tile_overlayer_lowered:
.L_overlay_start_2:
0x5e: {  	(tag) =	ssettag $0x2  }
0x5f: {  	s0 =	rddreg [dreg:$0x0];
	s2 =	stileid.u32  }
0x60: {  	s1 =	rddreg [dreg:$0x1];
	p0 =	sne.s32 s2, $0x0  }
0x61: {  	s3 =	rddreg [dreg:$0x2];
	[bflag:$0x3] =	sbarrier.arrive $0xFFFF;
	s2 =	simm.s32 @!p0 $0x1C02  }
0x62: {  	[timem:s3], [sflag:s2] =	dma.local @!p0 [hbm:s0], s1  }
0x63: {  	s0 =	simm.s32 @!p0 $0x2  }
0x64: {  	_ =	swait.ge @!p0 [sflag:s0], s1  }
0x65: {  	s1 =	ssub.s32 @!p0 $0x0, s1;
	[sflag:s0] =	ssyncset.done @!p0 $0x0  }
0x66: {  	[sflag:s0] =	ssyncadd.s32 @!p0 s1  }
0x67: {  	[bflag:$0x3] =	sbarrier.arrive $0xFFFF  }
0x68: {  	_ =	shalt  }

</sc_bundles>
